<compile_context>
chip_gen: v7x
topology: tpu7x:2x2x1
jax: 0.10.2.dev20260603
libtpu: 0.0.44.dev20260713+nightly
codegen_flags: <defaults>
</compile_context>

<pallas_src>
import jax
import jax.numpy as jnp
from jax import lax
from jax.experimental import pallas as pl
from jax.experimental.pallas import tpu as pltpu
from jax.experimental.pallas import tpu_sc as plsc

N = 32768
NS = 16
L = 16
CHUNK = N // NS
VPL = CHUNK // L


def _combine(av, ai, bv, bi):
    p = (bv > av) | ((bv == av) & (bi < ai))
    return jnp.where(p, bv, av), jnp.where(p, bi, ai)


def _argmax_body(values_hbm, out_hbm, vals_v, stage, shared, merge, out_v):
    sid = lax.axis_index("s")
    base = sid * CHUNK
    pltpu.sync_copy(values_hbm.at[pl.ds(base, CHUNK)], vals_v)

    lane = lax.iota(jnp.int32, 16)

    def step(j, carry):
        mv, mi = carry
        v = vals_v[pl.ds(j * L, L)]
        idx = base + j * L + lane
        p = v > mv
        return jnp.where(p, v, mv), jnp.where(p, idx, mi)

    mv, mi = lax.fori_loop(
        0, VPL, step,
        (jnp.full((L,), -jnp.inf, jnp.float32), jnp.zeros((L,), jnp.int32)))

    stage[pl.ds(0, L)] = lax.bitcast_convert_type(mv, jnp.int32)
    stage[pl.ds(L, L)] = mi
    pltpu.sync_copy(stage, shared.at[pl.ds(sid * 2 * L, 2 * L)])
    plsc.subcore_barrier()

    @pl.when(sid == 0)
    def _():
        pltpu.sync_copy(shared, merge)

        def mstep(t, carry):
            bv, bi = carry
            v = lax.bitcast_convert_type(merge[pl.ds(t * 2 * L, L)],
                                         jnp.float32)
            i = merge[pl.ds(t * 2 * L + L, L)]
            return _combine(bv, bi, v, i)

        bmv, bmi = lax.fori_loop(
            0, NS, mstep,
            (jnp.full((L,), -jnp.inf, jnp.float32), jnp.zeros((L,), jnp.int32)))
        for shift in (8, 4, 2, 1):
            perm = lax.bitwise_xor(lane, jnp.int32(shift))
            ov = bmv.at[perm].get(mode="promise_in_bounds")
            oi = bmi.at[perm].get(mode="promise_in_bounds")
            bmv, bmi = _combine(bmv, bmi, ov, oi)
        out_v[...] = bmi
        pltpu.sync_copy(out_v, out_hbm)


_argmax_call = pl.kernel(
    _argmax_body,
    out_type=jax.ShapeDtypeStruct((L,), jnp.int32),
    mesh=plsc.VectorSubcoreMesh(
        core_axis_name="c", subcore_axis_name="s", num_cores=1),
    scratch_types=[
        pltpu.VMEM((CHUNK,), jnp.float32),
        pltpu.VMEM((2 * L,), jnp.int32),
        pltpu.VMEM_SHARED((NS * 2 * L,), jnp.int32),
        pltpu.VMEM((NS * 2 * L,), jnp.int32),
        pltpu.VMEM((L,), jnp.int32),
    ],
)


@jax.jit
def kernel(values, prefix_sum):
    out = _argmax_call(values)
    return out[0]

# --- scband reference (transcript-rebuilt; emitter-appended) ---
"""Pipeline reference for scband-jagged-argmax-module-84516366450841 (READ-ONLY COPY).

The authoritative reference and input builder live on the scoring server;
editing this copy changes nothing except your own understanding.
"""

import jax, jax.numpy as jnp
import numpy as np


def setup_inputs(seed: int = 0) -> dict:
    key = jax.random.key(seed)
    k1, k2 = jax.random.split(key)
    values = jax.random.normal(k1, (32768,), dtype=jnp.float32)
    prefix_sum = jnp.sort(jax.random.randint(k2, (17,), 0, 32768)).astype(jnp.int32)
    return {"values": values, "prefix_sum": prefix_sum}


def reference(values, prefix_sum):
    # Faithful translation of torch.argmax(values): global argmax over the
    # flattened values tensor. prefix_sum is accepted but unused, matching
    # the original module's forward.
    return jnp.argmax(values)

if __name__ == "__main__":
    import jax
    _d = setup_inputs()
    print(jax.jit(kernel)(*tuple(_d.values())))

</pallas_src>

<mosaic_0001>
#map = affine_map<(d0, d1) -> (0)>
module attributes {stable_mosaic.version = 14 : i64} {
  func.func @_argmax_body(%arg0: i32, %arg1: i32, %arg2: memref<32768xf32, #tpu.memory_space<hbm>>, %arg3: memref<16xi32, #tpu.memory_space<hbm>>, %arg4: memref<2048xf32, #tpu.memory_space<vmem>>, %arg5: memref<32xi32, #tpu.memory_space<vmem>>, %arg6: memref<512xi32, #tpu.memory_space<vmem_shared>>, %arg7: memref<512xi32, #tpu.memory_space<vmem>>, %arg8: memref<16xi32, #tpu.memory_space<vmem>>) attributes {dimension_semantics = [#tpu.dimension_semantics<core_parallel>, #tpu.dimension_semantics<subcore_parallel>], iteration_bounds = array<i64: 1, 16>, scalar_prefetch = 0 : i64, scratch_operands = 5 : i64, tpu.core_type = #tpu.core_type<sc_vector_subcore>, window_params = [{transform_indices = #map}, {transform_indices = #map}]} {
    %mul3A = arith.constant 2048 : i32
    %mul3A_0 = arith.muli %arg1, %mul3A : i32
    "tpu.region"() ({
      %run_scoped3A = tpu.sem_alloc : memref<!tpu.dma_semaphore, #tpu.memory_space<semaphore_mem>>
      %dma_start3A = tpu.memref_slice %arg2[%mul3A_0] : memref<32768xf32, #tpu.memory_space<hbm>> -> memref<2048xf32, #tpu.memory_space<hbm>>
      %dma_start3A_22 = tpu.memref_slice %arg2[%mul3A_0] : memref<32768xf32, #tpu.memory_space<hbm>> -> memref<2048xf32, #tpu.memory_space<hbm>>
      tpu.enqueue_dma source(%dma_start3A_22 : memref<2048xf32, #tpu.memory_space<hbm>>) target(%arg4 : memref<2048xf32, #tpu.memory_space<vmem>>) target_semaphore(%run_scoped3A : memref<!tpu.dma_semaphore, #tpu.memory_space<semaphore_mem>>)
      %dma_wait3A = tpu.memref_slice %arg2[%mul3A_0] : memref<32768xf32, #tpu.memory_space<hbm>> -> memref<2048xf32, #tpu.memory_space<hbm>>
      %dma_wait3A_23 = tpu.memref_slice %arg2[%mul3A_0] : memref<32768xf32, #tpu.memory_space<hbm>> -> memref<2048xf32, #tpu.memory_space<hbm>>
      tpu.wait_dma2 semaphore(%run_scoped3A : memref<!tpu.dma_semaphore, #tpu.memory_space<semaphore_mem>>) src(%dma_wait3A_23 : memref<2048xf32, #tpu.memory_space<hbm>>) dst(%arg4 : memref<2048xf32, #tpu.memory_space<vmem>>)
      tpu.yield
    }) : () -> ()
    %iota3A = tpu.iota {dimensions = array<i32: 0>} : vector<16xi32>
    %broadcast_in_dim3A = arith.constant 0xFF800000 : f32
    %broadcast_in_dim3A_1 = vector.broadcast %broadcast_in_dim3A : f32 to vector<16xf32>
    %broadcast_in_dim3A_2 = arith.constant 0 : i32
    %broadcast_in_dim3A_3 = vector.broadcast %broadcast_in_dim3A_2 : i32 to vector<16xi32>
    %scan3A = arith.constant 0 : i32
    %scan3A_4 = arith.constant 128 : i32
    %scan3A_5 = arith.addi %scan3A, %scan3A_4 : i32
    %scan3A_6 = arith.constant 1 : i32
    %scan3A_7:2 = scf.for %scan3A_22 = %scan3A to %scan3A_5 step %scan3A_6 iter_args(%scan3A_23 = %broadcast_in_dim3A_1, %scan3A_24 = %broadcast_in_dim3A_3) -> (vector<16xf32>, vector<16xi32>)  : i32 {
      %mul3A_25 = arith.constant 16 : i32
      %mul3A_26 = arith.muli %scan3A_22, %mul3A_25 : i32
      %get3A = arith.index_cast %mul3A_26 : i32 to index
      %get3A_27 = tpu.vector_load %arg4[%get3A] {strides = array<i32>} : memref<2048xf32, #tpu.memory_space<vmem>>, vector<16xf32>,
      %get3A_28 = vector.shape_cast %get3A_27 : vector<16xf32> to vector<16xf32>
      %mul3A_29 = arith.constant 16 : i32
      %mul3A_30 = arith.muli %scan3A_22, %mul3A_29 : i32
      %add3A = arith.addi %mul3A_0, %mul3A_30 : i32
      %add3A_31 = vector.broadcast %add3A : i32 to vector<16xi32>
      %add3A_32 = arith.addi %add3A_31, %iota3A : vector<16xi32>
      %gt3A = arith.cmpf ogt, %get3A_28, %scan3A_23 : vector<16xf32>
      %select_n3A = arith.select %gt3A, %get3A_28, %scan3A_23 : vector<16xi1>, vector<16xf32>
      %select_n3A_33 = arith.select %gt3A, %add3A_32, %scan3A_24 : vector<16xi1>, vector<16xi32>
      scf.yield %select_n3A, %select_n3A_33 : vector<16xf32>, vector<16xi32>
    }
    %scan3A_8 = arith.constant 128 : i32
    %bitcast_convert_type3A = tpu.bitcast %scan3A_7#0 : vector<16xf32> -> vector<16xi32>
    %swap3A = arith.constant 0 : index
    %swap3A_9 = tpu.vector_load %arg5[%swap3A] {strides = array<i32>} : memref<32xi32, #tpu.memory_space<vmem>>, vector<16xi32>,
    %swap3A_10 = vector.shape_cast %swap3A_9 : vector<16xi32> to vector<16xi32>
    %swap3A_11 = vector.shape_cast %bitcast_convert_type3A : vector<16xi32> to vector<16xi32>
    tpu.vector_store %arg5[%swap3A], %swap3A_11 {strides = array<i32>} : memref<32xi32, #tpu.memory_space<vmem>>, vector<16xi32>,
    %swap3A_12 = arith.constant 16 : index
    %swap3A_13 = tpu.vector_load %arg5[%swap3A_12] {strides = array<i32>} : memref<32xi32, #tpu.memory_space<vmem>>, vector<16xi32>,
    %swap3A_14 = vector.shape_cast %swap3A_13 : vector<16xi32> to vector<16xi32>
    %swap3A_15 = vector.shape_cast %scan3A_7#1 : vector<16xi32> to vector<16xi32>
    tpu.vector_store %arg5[%swap3A_12], %swap3A_15 {strides = array<i32>} : memref<32xi32, #tpu.memory_space<vmem>>, vector<16xi32>,
    %mul3A_16 = arith.constant 2 : i32
    %mul3A_17 = arith.muli %arg1, %mul3A_16 : i32
    %mul3A_18 = arith.constant 16 : i32
    %mul3A_19 = arith.muli %mul3A_17, %mul3A_18 : i32
    "tpu.region"() ({
      %run_scoped3A = tpu.sem_alloc : memref<!tpu.dma_semaphore, #tpu.memory_space<semaphore_mem>>
      %dma_start3A = tpu.memref_slice %arg6[%mul3A_19] : memref<512xi32, #tpu.memory_space<vmem_shared>> -> memref<32xi32, #tpu.memory_space<vmem_shared>>
      %dma_start3A_22 = tpu.memref_slice %arg6[%mul3A_19] : memref<512xi32, #tpu.memory_space<vmem_shared>> -> memref<32xi32, #tpu.memory_space<vmem_shared>>
      tpu.enqueue_dma source(%arg5 : memref<32xi32, #tpu.memory_space<vmem>>) target(%dma_start3A_22 : memref<32xi32, #tpu.memory_space<vmem_shared>>) target_semaphore(%run_scoped3A : memref<!tpu.dma_semaphore, #tpu.memory_space<semaphore_mem>>)
      %dma_wait3A = tpu.memref_slice %arg6[%mul3A_19] : memref<512xi32, #tpu.memory_space<vmem_shared>> -> memref<32xi32, #tpu.memory_space<vmem_shared>>
      %dma_wait3A_23 = tpu.memref_slice %arg6[%mul3A_19] : memref<512xi32, #tpu.memory_space<vmem_shared>> -> memref<32xi32, #tpu.memory_space<vmem_shared>>
      tpu.wait_dma2 semaphore(%run_scoped3A : memref<!tpu.dma_semaphore, #tpu.memory_space<semaphore_mem>>) src(%arg5 : memref<32xi32, #tpu.memory_space<vmem>>) dst(%dma_wait3A_23 : memref<32xi32, #tpu.memory_space<vmem_shared>>)
      tpu.yield
    }) : () -> ()
    %barrier3A = arith.constant 0 : index
    tpu.barrier barrier_id(%barrier3A)
    %eq3A = arith.constant 0 : i32
    %eq3A_20 = arith.cmpi eq, %arg1, %eq3A : i32
    %convert_element_type3A = arith.extui %eq3A_20 : i1 to i32
    %cond3A = arith.constant 0 : i32
    %cond3A_21 = arith.cmpi ne, %convert_element_type3A, %cond3A : i32
    scf.if %cond3A_21 {
      "tpu.region"() ({
        %run_scoped3A = tpu.sem_alloc : memref<!tpu.dma_semaphore, #tpu.memory_space<semaphore_mem>>
        tpu.enqueue_dma source(%arg6 : memref<512xi32, #tpu.memory_space<vmem_shared>>) target(%arg7 : memref<512xi32, #tpu.memory_space<vmem>>) target_semaphore(%run_scoped3A : memref<!tpu.dma_semaphore, #tpu.memory_space<semaphore_mem>>)
        tpu.wait_dma2 semaphore(%run_scoped3A : memref<!tpu.dma_semaphore, #tpu.memory_space<semaphore_mem>>) src(%arg6 : memref<512xi32, #tpu.memory_space<vmem_shared>>) dst(%arg7 : memref<512xi32, #tpu.memory_space<vmem>>)
        tpu.yield
      }) : () -> ()
      %broadcast_in_dim3A_22 = arith.constant 0xFF800000 : f32
      %broadcast_in_dim3A_23 = vector.broadcast %broadcast_in_dim3A_22 : f32 to vector<16xf32>
      %broadcast_in_dim3A_24 = arith.constant 0 : i32
      %broadcast_in_dim3A_25 = vector.broadcast %broadcast_in_dim3A_24 : i32 to vector<16xi32>
      %scan3A_26 = arith.constant 0 : i32
      %scan3A_27 = arith.constant 16 : i32
      %scan3A_28 = arith.addi %scan3A_26, %scan3A_27 : i32
      %scan3A_29 = arith.constant 1 : i32
      %scan3A_30:2 = scf.for %scan3A_148 = %scan3A_26 to %scan3A_28 step %scan3A_29 iter_args(%scan3A_149 = %broadcast_in_dim3A_23, %scan3A_150 = %broadcast_in_dim3A_25) -> (vector<16xf32>, vector<16xi32>)  : i32 {
        %mul3A_151 = arith.constant 2 : i32
        %mul3A_152 = arith.muli %scan3A_148, %mul3A_151 : i32
        %mul3A_153 = arith.constant 16 : i32
        %mul3A_154 = arith.muli %mul3A_152, %mul3A_153 : i32
        %get3A = arith.index_cast %mul3A_154 : i32 to index
        %get3A_155 = tpu.vector_load %arg7[%get3A] {strides = array<i32>} : memref<512xi32, #tpu.memory_space<vmem>>, vector<16xi32>,
        %get3A_156 = vector.shape_cast %get3A_155 : vector<16xi32> to vector<16xi32>
        %bitcast_convert_type3A_157 = tpu.bitcast %get3A_156 : vector<16xi32> -> vector<16xf32>
        %mul3A_158 = arith.constant 2 : i32
        %mul3A_159 = arith.muli %scan3A_148, %mul3A_158 : i32
        %mul3A_160 = arith.constant 16 : i32
        %mul3A_161 = arith.muli %mul3A_159, %mul3A_160 : i32
        %add3A_162 = arith.constant 16 : i32
        %add3A_163 = arith.addi %mul3A_161, %add3A_162 : i32
        %get3A_164 = arith.index_cast %add3A_163 : i32 to index
        %get3A_165 = tpu.vector_load %arg7[%get3A_164] {strides = array<i32>} : memref<512xi32, #tpu.memory_space<vmem>>, vector<16xi32>,
        %get3A_166 = vector.shape_cast %get3A_165 : vector<16xi32> to vector<16xi32>
        %gt3A_167 = arith.cmpf ogt, %bitcast_convert_type3A_157, %scan3A_149 : vector<16xf32>
        %eq3A_168 = arith.cmpf oeq, %bitcast_convert_type3A_157, %scan3A_149 : vector<16xf32>
        %lt3A_169 = arith.cmpi slt, %get3A_166, %scan3A_150 : vector<16xi32>
        %and3A_170 = arith.andi %eq3A_168, %lt3A_169 : vector<16xi1>
        %or3A_171 = arith.ori %gt3A_167, %and3A_170 : vector<16xi1>
        %select_n3A_172 = arith.select %or3A_171, %bitcast_convert_type3A_157, %scan3A_149 : vector<16xi1>, vector<16xf32>
        %select_n3A_173 = arith.select %or3A_171, %get3A_166, %scan3A_150 : vector<16xi1>, vector<16xi32>
        scf.yield %select_n3A_172, %select_n3A_173 : vector<16xf32>, vector<16xi32>
      }
      %scan3A_31 = arith.constant 16 : i32
      %xor3A = arith.constant 8 : i32
      %xor3A_32 = vector.broadcast %xor3A : i32 to vector<16xi32>
      %xor3A_33 = arith.xori %iota3A, %xor3A_32 : vector<16xi32>
      %lt3A = arith.constant 0 : i32
      %lt3A_34 = vector.broadcast %lt3A : i32 to vector<16xi32>
      %lt3A_35 = arith.cmpi slt, %xor3A_33, %lt3A_34 : vector<16xi32>
      %add3A = arith.constant 16 : i32
      %add3A_36 = vector.broadcast %add3A : i32 to vector<16xi32>
      %add3A_37 = arith.addi %xor3A_33, %add3A_36 : vector<16xi32>
      %select_n3A = arith.select %lt3A_35, %add3A_37, %xor3A_33 : vector<16xi1>, vector<16xi32>
      %broadcast_in_dim3A_38 = vector.shape_cast %select_n3A : vector<16xi32> to vector<16x1xi32>
      %gather3A = vector.shape_cast %broadcast_in_dim3A_38 : vector<16x1xi32> to vector<16xi32>
      %gather3A_39 = tpu.dynamic_gather %scan3A_30#0[%gather3A] in [0] : vector<16xf32>, vector<16xi32> -> vector<16xf32>
      %lt3A_40 = arith.constant 0 : i32
      %lt3A_41 = vector.broadcast %lt3A_40 : i32 to vector<16xi32>
      %lt3A_42 = arith.cmpi slt, %xor3A_33, %lt3A_41 : vector<16xi32>
      %add3A_43 = arith.constant 16 : i32
      %add3A_44 = vector.broadcast %add3A_43 : i32 to vector<16xi32>
      %add3A_45 = arith.addi %xor3A_33, %add3A_44 : vector<16xi32>
      %select_n3A_46 = arith.select %lt3A_42, %add3A_45, %xor3A_33 : vector<16xi1>, vector<16xi32>
      %broadcast_in_dim3A_47 = vector.shape_cast %select_n3A_46 : vector<16xi32> to vector<16x1xi32>
      %gather3A_48 = vector.shape_cast %broadcast_in_dim3A_47 : vector<16x1xi32> to vector<16xi32>
      %gather3A_49 = tpu.dynamic_gather %scan3A_30#1[%gather3A_48] in [0] : vector<16xi32>, vector<16xi32> -> vector<16xi32>
      %gt3A = arith.cmpf ogt, %gather3A_39, %scan3A_30#0 : vector<16xf32>
      %eq3A_50 = arith.cmpf oeq, %gather3A_39, %scan3A_30#0 : vector<16xf32>
      %lt3A_51 = arith.cmpi slt, %gather3A_49, %scan3A_30#1 : vector<16xi32>
      %and3A = arith.andi %eq3A_50, %lt3A_51 : vector<16xi1>
      %or3A = arith.ori %gt3A, %and3A : vector<16xi1>
      %select_n3A_52 = arith.select %or3A, %gather3A_39, %scan3A_30#0 : vector<16xi1>, vector<16xf32>
      %select_n3A_53 = arith.select %or3A, %gather3A_49, %scan3A_30#1 : vector<16xi1>, vector<16xi32>
      %xor3A_54 = arith.constant 4 : i32
      %xor3A_55 = vector.broadcast %xor3A_54 : i32 to vector<16xi32>
      %xor3A_56 = arith.xori %iota3A, %xor3A_55 : vector<16xi32>
      %lt3A_57 = arith.constant 0 : i32
      %lt3A_58 = vector.broadcast %lt3A_57 : i32 to vector<16xi32>
      %lt3A_59 = arith.cmpi slt, %xor3A_56, %lt3A_58 : vector<16xi32>
      %add3A_60 = arith.constant 16 : i32
      %add3A_61 = vector.broadcast %add3A_60 : i32 to vector<16xi32>
      %add3A_62 = arith.addi %xor3A_56, %add3A_61 : vector<16xi32>
      %select_n3A_63 = arith.select %lt3A_59, %add3A_62, %xor3A_56 : vector<16xi1>, vector<16xi32>
      %broadcast_in_dim3A_64 = vector.shape_cast %select_n3A_63 : vector<16xi32> to vector<16x1xi32>
      %gather3A_65 = vector.shape_cast %broadcast_in_dim3A_64 : vector<16x1xi32> to vector<16xi32>
      %gather3A_66 = tpu.dynamic_gather %select_n3A_52[%gather3A_65] in [0] : vector<16xf32>, vector<16xi32> -> vector<16xf32>
      %lt3A_67 = arith.constant 0 : i32
      %lt3A_68 = vector.broadcast %lt3A_67 : i32 to vector<16xi32>
      %lt3A_69 = arith.cmpi slt, %xor3A_56, %lt3A_68 : vector<16xi32>
      %add3A_70 = arith.constant 16 : i32
      %add3A_71 = vector.broadcast %add3A_70 : i32 to vector<16xi32>
      %add3A_72 = arith.addi %xor3A_56, %add3A_71 : vector<16xi32>
      %select_n3A_73 = arith.select %lt3A_69, %add3A_72, %xor3A_56 : vector<16xi1>, vector<16xi32>
      %broadcast_in_dim3A_74 = vector.shape_cast %select_n3A_73 : vector<16xi32> to vector<16x1xi32>
      %gather3A_75 = vector.shape_cast %broadcast_in_dim3A_74 : vector<16x1xi32> to vector<16xi32>
      %gather3A_76 = tpu.dynamic_gather %select_n3A_53[%gather3A_75] in [0] : vector<16xi32>, vector<16xi32> -> vector<16xi32>
      %gt3A_77 = arith.cmpf ogt, %gather3A_66, %select_n3A_52 : vector<16xf32>
      %eq3A_78 = arith.cmpf oeq, %gather3A_66, %select_n3A_52 : vector<16xf32>
      %lt3A_79 = arith.cmpi slt, %gather3A_76, %select_n3A_53 : vector<16xi32>
      %and3A_80 = arith.andi %eq3A_78, %lt3A_79 : vector<16xi1>
      %or3A_81 = arith.ori %gt3A_77, %and3A_80 : vector<16xi1>
      %select_n3A_82 = arith.select %or3A_81, %gather3A_66, %select_n3A_52 : vector<16xi1>, vector<16xf32>
      %select_n3A_83 = arith.select %or3A_81, %gather3A_76, %select_n3A_53 : vector<16xi1>, vector<16xi32>
      %xor3A_84 = arith.constant 2 : i32
      %xor3A_85 = vector.broadcast %xor3A_84 : i32 to vector<16xi32>
      %xor3A_86 = arith.xori %iota3A, %xor3A_85 : vector<16xi32>
      %lt3A_87 = arith.constant 0 : i32
      %lt3A_88 = vector.broadcast %lt3A_87 : i32 to vector<16xi32>
      %lt3A_89 = arith.cmpi slt, %xor3A_86, %lt3A_88 : vector<16xi32>
      %add3A_90 = arith.constant 16 : i32
      %add3A_91 = vector.broadcast %add3A_90 : i32 to vector<16xi32>
      %add3A_92 = arith.addi %xor3A_86, %add3A_91 : vector<16xi32>
      %select_n3A_93 = arith.select %lt3A_89, %add3A_92, %xor3A_86 : vector<16xi1>, vector<16xi32>
      %broadcast_in_dim3A_94 = vector.shape_cast %select_n3A_93 : vector<16xi32> to vector<16x1xi32>
      %gather3A_95 = vector.shape_cast %broadcast_in_dim3A_94 : vector<16x1xi32> to vector<16xi32>
      %gather3A_96 = tpu.dynamic_gather %select_n3A_82[%gather3A_95] in [0] : vector<16xf32>, vector<16xi32> -> vector<16xf32>
      %lt3A_97 = arith.constant 0 : i32
      %lt3A_98 = vector.broadcast %lt3A_97 : i32 to vector<16xi32>
      %lt3A_99 = arith.cmpi slt, %xor3A_86, %lt3A_98 : vector<16xi32>
      %add3A_100 = arith.constant 16 : i32
      %add3A_101 = vector.broadcast %add3A_100 : i32 to vector<16xi32>
      %add3A_102 = arith.addi %xor3A_86, %add3A_101 : vector<16xi32>
      %select_n3A_103 = arith.select %lt3A_99, %add3A_102, %xor3A_86 : vector<16xi1>, vector<16xi32>
      %broadcast_in_dim3A_104 = vector.shape_cast %select_n3A_103 : vector<16xi32> to vector<16x1xi32>
      %gather3A_105 = vector.shape_cast %broadcast_in_dim3A_104 : vector<16x1xi32> to vector<16xi32>
      %gather3A_106 = tpu.dynamic_gather %select_n3A_83[%gather3A_105] in [0] : vector<16xi32>, vector<16xi32> -> vector<16xi32>
      %gt3A_107 = arith.cmpf ogt, %gather3A_96, %select_n3A_82 : vector<16xf32>
      %eq3A_108 = arith.cmpf oeq, %gather3A_96, %select_n3A_82 : vector<16xf32>
      %lt3A_109 = arith.cmpi slt, %gather3A_106, %select_n3A_83 : vector<16xi32>
      %and3A_110 = arith.andi %eq3A_108, %lt3A_109 : vector<16xi1>
      %or3A_111 = arith.ori %gt3A_107, %and3A_110 : vector<16xi1>
      %select_n3A_112 = arith.select %or3A_111, %gather3A_96, %select_n3A_82 : vector<16xi1>, vector<16xf32>
      %select_n3A_113 = arith.select %or3A_111, %gather3A_106, %select_n3A_83 : vector<16xi1>, vector<16xi32>
      %xor3A_114 = arith.constant 1 : i32
      %xor3A_115 = vector.broadcast %xor3A_114 : i32 to vector<16xi32>
      %xor3A_116 = arith.xori %iota3A, %xor3A_115 : vector<16xi32>
      %lt3A_117 = arith.constant 0 : i32
      %lt3A_118 = vector.broadcast %lt3A_117 : i32 to vector<16xi32>
      %lt3A_119 = arith.cmpi slt, %xor3A_116, %lt3A_118 : vector<16xi32>
      %add3A_120 = arith.constant 16 : i32
      %add3A_121 = vector.broadcast %add3A_120 : i32 to vector<16xi32>
      %add3A_122 = arith.addi %xor3A_116, %add3A_121 : vector<16xi32>
      %select_n3A_123 = arith.select %lt3A_119, %add3A_122, %xor3A_116 : vector<16xi1>, vector<16xi32>
      %broadcast_in_dim3A_124 = vector.shape_cast %select_n3A_123 : vector<16xi32> to vector<16x1xi32>
      %gather3A_125 = vector.shape_cast %broadcast_in_dim3A_124 : vector<16x1xi32> to vector<16xi32>
      %gather3A_126 = tpu.dynamic_gather %select_n3A_112[%gather3A_125] in [0] : vector<16xf32>, vector<16xi32> -> vector<16xf32>
      %lt3A_127 = arith.constant 0 : i32
      %lt3A_128 = vector.broadcast %lt3A_127 : i32 to vector<16xi32>
      %lt3A_129 = arith.cmpi slt, %xor3A_116, %lt3A_128 : vector<16xi32>
      %add3A_130 = arith.constant 16 : i32
      %add3A_131 = vector.broadcast %add3A_130 : i32 to vector<16xi32>
      %add3A_132 = arith.addi %xor3A_116, %add3A_131 : vector<16xi32>
      %select_n3A_133 = arith.select %lt3A_129, %add3A_132, %xor3A_116 : vector<16xi1>, vector<16xi32>
      %broadcast_in_dim3A_134 = vector.shape_cast %select_n3A_133 : vector<16xi32> to vector<16x1xi32>
      %gather3A_135 = vector.shape_cast %broadcast_in_dim3A_134 : vector<16x1xi32> to vector<16xi32>
      %gather3A_136 = tpu.dynamic_gather %select_n3A_113[%gather3A_135] in [0] : vector<16xi32>, vector<16xi32> -> vector<16xi32>
      %gt3A_137 = arith.cmpf ogt, %gather3A_126, %select_n3A_112 : vector<16xf32>
      %eq3A_138 = arith.cmpf oeq, %gather3A_126, %select_n3A_112 : vector<16xf32>
      %lt3A_139 = arith.cmpi slt, %gather3A_136, %select_n3A_113 : vector<16xi32>
      %and3A_140 = arith.andi %eq3A_138, %lt3A_139 : vector<16xi1>
      %or3A_141 = arith.ori %gt3A_137, %and3A_140 : vector<16xi1>
      %select_n3A_142 = arith.select %or3A_141, %gather3A_126, %select_n3A_112 : vector<16xi1>, vector<16xf32>
      %select_n3A_143 = arith.select %or3A_141, %gather3A_136, %select_n3A_113 : vector<16xi1>, vector<16xi32>
      %swap3A_144 = arith.constant 0 : index
      %swap3A_145 = tpu.vector_load %arg8[%swap3A_144] {strides = array<i32>} : memref<16xi32, #tpu.memory_space<vmem>>, vector<16xi32>,
      %swap3A_146 = vector.shape_cast %swap3A_145 : vector<16xi32> to vector<16xi32>
      %swap3A_147 = vector.shape_cast %select_n3A_143 : vector<16xi32> to vector<16xi32>
      tpu.vector_store %arg8[%swap3A_144], %swap3A_147 {strides = array<i32>} : memref<16xi32, #tpu.memory_space<vmem>>, vector<16xi32>,
      "tpu.region"() ({
        %run_scoped3A = tpu.sem_alloc : memref<!tpu.dma_semaphore, #tpu.memory_space<semaphore_mem>>
        tpu.enqueue_dma source(%arg8 : memref<16xi32, #tpu.memory_space<vmem>>) target(%arg3 : memref<16xi32, #tpu.memory_space<hbm>>) target_semaphore(%run_scoped3A : memref<!tpu.dma_semaphore, #tpu.memory_space<semaphore_mem>>)
        tpu.wait_dma2 semaphore(%run_scoped3A : memref<!tpu.dma_semaphore, #tpu.memory_space<semaphore_mem>>) src(%arg8 : memref<16xi32, #tpu.memory_space<vmem>>) dst(%arg3 : memref<16xi32, #tpu.memory_space<hbm>>)
        tpu.yield
      }) : () -> ()
    } else {
    }
    return
  }
}

</mosaic_0001>

<sc_bundles>
// kernel: kernel.3.cloned.1.call-start
scs
__scs_entry_jumppad:
0x0: {  	(pc) =	sbr.rel $0x88, $3  }
0x1: {  	(tag) =	ssettag $0x0;
	lr =	simm.s32 $0x1  }
0x2: {  	[smem:$0x3FA0] =	sst lr;
	_ =	strace $0xD0000000  }
0x3: {  	_ = 	snop  }
0x4: {  	_ = 	snop  }
0x5: {  	_ = 	snop  }
0x6: {  	_ = 	snop  }
0x7: {  	_ = 	snop  }
__scs_overlays_trampoline_lowered:
0x8: {  	[smem:$0x3FAF] =	sst s0  }
0x9: {  	[smem:$0x3FB0] =	sst s1  }
0xa: {  	[smem:$0x3FB1] =	sst s2  }
0xb: {  	[smem:$0x3FB2] =	sst s3  }
0xc: {  	[smem:$0x3FB3] =	sst s4  }
0xd: {  	[smem:$0x3FB4] =	sst s5  }
0xe: {  	[smem:$0x3FB5] =	sst s6  }
0xf: {  	[smem:$0x3FB6] =	sst s7  }
0x10: {  	[smem:$0x3FB7] =	sst s8  }
0x11: {  	[smem:$0x3FB8] =	sst s9;
	s0 =	simm.s32 @!p0 $0x0  }
0x12: {  	s1 =	sld [smem:$0x3F9E];
	s0 =	simm.s32 @p0 $0x1  }
0x13: {  	[smem:$0x3FB9] =	sst s0;
	s0 =	simm.s32 @!p1 $0x0  }
0x14: {  	s2 =	sld [smem:$0x3F9D];
	s0 =	simm.s32 @p1 $0x1  }
0x15: {  	[smem:$0x3FBA] =	sst s0;
	s0 =	simm.s32 @!p2 $0x0  }
0x16: {  	s3 =	sld [smem:$0x3FDB];
	s0 =	simm.s32 @p2 $0x1  }
0x17: {  	s4 =	simm.s32 $0x1BF5;
	[smem:$0x3FBC] =	sst s0  }
0x18: {  	s0 =	sld [smem:$0x3F9F];
	_ =	swait.ge [sflag:s4], $0x0  }
0x19: {  	s7 =	sld [smem:$0x3FA0]  }
0x1a: {  	s8 =	sadd.s32 $0xFFFFE003, lr  }
0x1b: {  	s9 =	sadd.s32 $0xFFFFFEF7, lr;
	s5 =	simm.s32 $0xFFFFFFFF;
	p2 =	slt.u32 s8, $0xFFFFF086  }
0x1c: {  	p1 =	slt.u32 s9, $0xF7A;
	s5 =	simm.s32 @!p2 $0x0  }
0x1d: {  	s5 =	simm.s32 @p1 $0x1;
	p0 =	seq.s32 s7, s2  }
0x1e: {  	s7 =	smul.u32 @!p0 $0xF7A, s2;
	p2 =	seq.s32 @!p0 s5, $0x0  }
0x1f: {  	s9 =	smul.u32 $0xF7A, s1;
	s8 =	simm.s32 @!p0 $0x1BF5;
	p2 =	por !p2, p0  }
0x20: {  	[sflag:s8] =	ssyncset.s32 @!p0 $0xFFFFF086;
	s6 =	sadd.s32 @!p0 s3, s7;
	s7 =	simm.s32 @!p0 $0x108  }
0x21: {  	s3 =	sadd.s32 s3, s9;
	s6 =	sadd.s32 @!p0 $0x88, s6;
	s7 =	simm.s32 @p2 $0x1082  }
0x22: {  	[simem:s7], [sflag:s8] =	dma.local @!p0 [hbm:s6], $0xF7A  }
0x23: {  	s9 =	sor.u32 $0xD0000000, s2;
	s6 =	simm.s32 $0x108;
	_ =	swait.ge @!p0 [sflag:s8], $0x0  }
0x24: {  	s3 =	sadd.s32 $0x88, s3;
	s6 =	simm.s32 @!p1 $0x1082;
	[sflag:s4] =	ssyncset.s32 $0xFFFFF086  }
0x25: {  	[simem:s6], [sflag:s4] =	dma.local [hbm:s3], $0xF7A  }
0x26: {  	[smem:$0x3FA0] =	sst s1;
	(tag) =	ssettag s2;
	_ =	strace s9  }
0x27: {  	s1 =	sld [smem:$0x3FB0]  }
0x28: {  	s2 =	sld [smem:$0x3FB1]  }
0x29: {  	s4 =	sld [smem:$0x3FB3]  }
0x2a: {  	p0 =	seq.s32 s5, $0x0;
	s5 =	sld [smem:$0x3FB4]  }
0x2b: {  	s6 =	sld [smem:$0x3FB5]  }
0x2c: {  	s7 =	sld [smem:$0x3FB6]  }
0x2d: {  	s3 =	simm.s32 $0x108;
	s8 =	sld [smem:$0x3FB7]  }
0x2e: {  	s3 =	simm.s32 @!p0 $0x1082;
	s9 =	sld [smem:$0x3FB8]  }
0x2f: {  	lr =	sadd.s32 s0, s3;
	s0 =	sld [smem:$0x3FAF]  }
0x30: {  	s3 =	sld [smem:$0x3FB2]  }
0x31: {  	[smem:$0x3FBB] =	sst s10  }
0x32: {  	s10 =	sld [smem:$0x3FB9];
	_ =	sdelay $0x3  }
0x33: {  	p0 =	seq.s32 s10, $0x1;
	s10 =	sld [smem:$0x3FBB];
	_ =	sdelay $0x3  }
0x34: {  	[smem:$0x3FBB] =	sst s10  }
0x35: {  	s10 =	sld [smem:$0x3FBA];
	_ =	sdelay $0x3  }
0x36: {  	p1 =	seq.s32 s10, $0x1;
	s10 =	sld [smem:$0x3FBB];
	_ =	sdelay $0x3  }
0x37: {  	[smem:$0x3FBB] =	sst s10  }
0x38: {  	s10 =	sld [smem:$0x3FBC]  }
0x39: {  	_ = 	snop;
	(pc) =	sbr.ind lr, $3  }
0x3a: {  	_ = 	snop  }
0x3b: {  	_ = 	snop  }
0x3c: {  	p2 =	seq.s32 s10, $0x1;
	s10 =	sld [smem:$0x3FBB]  }
0x3d: {  	_ =	shalt  }
0x3e: {  	_ =	shalt  }
0x3f: {  	_ =	shalt  }
0x40: {  	_ =	shalt  }
0x41: {  	_ =	shalt  }
0x42: {  	_ =	shalt  }
0x43: {  	_ =	shalt  }
0x44: {  	_ =	shalt  }
0x45: {  	_ =	shalt  }
0x46: {  	_ =	shalt  }
0x47: {  	_ =	shalt  }
0x48: {  	_ =	shalt  }
0x49: {  	_ =	shalt  }
0x4a: {  	_ =	shalt  }
0x4b: {  	_ =	shalt  }
0x4c: {  	_ =	shalt  }
0x4d: {  	_ =	shalt  }
0x4e: {  	_ =	shalt  }
0x4f: {  	_ =	shalt  }
0x50: {  	_ =	shalt  }
0x51: {  	_ =	shalt  }
0x52: {  	_ =	shalt  }
0x53: {  	_ =	shalt  }
0x54: {  	_ =	shalt  }
0x55: {  	_ =	shalt  }
0x56: {  	_ =	shalt  }
0x57: {  	_ =	shalt  }
0x58: {  	_ =	shalt  }
0x59: {  	_ =	shalt  }
0x5a: {  	_ =	shalt  }
0x5b: {  	_ =	shalt  }
0x5c: {  	_ =	shalt  }
0x5d: {  	_ =	shalt  }
0x5e: {  	_ =	shalt  }
0x5f: {  	_ =	shalt  }
0x60: {  	_ =	shalt  }
0x61: {  	_ =	shalt  }
0x62: {  	_ =	shalt  }
0x63: {  	_ =	shalt  }
0x64: {  	_ =	shalt  }
0x65: {  	_ =	shalt  }
0x66: {  	_ =	shalt  }
0x67: {  	_ =	shalt  }
0x68: {  	_ =	shalt  }
0x69: {  	_ =	shalt  }
0x6a: {  	_ =	shalt  }
0x6b: {  	_ =	shalt  }
0x6c: {  	_ =	shalt  }
0x6d: {  	_ =	shalt  }
0x6e: {  	_ =	shalt  }
0x6f: {  	_ =	shalt  }
0x70: {  	_ =	shalt  }
0x71: {  	_ =	shalt  }
0x72: {  	_ =	shalt  }
0x73: {  	_ =	shalt  }
0x74: {  	_ =	shalt  }
0x75: {  	_ =	shalt  }
0x76: {  	_ =	shalt  }
0x77: {  	_ =	shalt  }
0x78: {  	_ =	shalt  }
0x79: {  	_ =	shalt  }
0x7a: {  	_ =	shalt  }
0x7b: {  	_ =	shalt  }
0x7c: {  	_ =	shalt  }
0x7d: {  	_ =	shalt  }
0x7e: {  	_ =	shalt  }
0x7f: {  	_ =	shalt  }
0x80: {  	_ =	shalt  }
0x81: {  	_ =	shalt  }
0x82: {  	_ =	shalt  }
0x83: {  	_ =	shalt  }
0x84: {  	_ =	shalt  }
0x85: {  	_ =	shalt  }
0x86: {  	_ =	shalt  }
0x87: {  	_ =	shalt  }
.Lfunc_end0:
.L_simem_size_0:
called_computation_lowered:
.L_overlay_start_0:
0x88: {  	s0 =	sld [smem:$0x3FD9]  }
0x89: {  	s1 =	sld [smem:$0x3FFE];
	_ =	sdelay $0x3  }
0x8a: {  	s0 =	sadd.s32 s1, s0  }
0x8b: {  	[smem:$0x3FC7] =	sst s0  }
0x8c: {  	_ = 	snop  }
0x8d: {  	s0 =	sld [smem:$0x3FC9]  }
0x8e: {  	s17 =	sld [smem:$0x3FD0];
	(tm) =	ssettm $0x1  }
0x8f: {  	s2 =	sld [smem:$0x3FFB];
	_ =	sdelay $0x3  }
0x90: {  	_ =	strace s2  }
0x91: {  	s2 =	sld [smem:$0x3FFC];
	_ =	sdelay $0x3  }
0x92: {  	_ =	strace s2  }
0x93: {  	s2 =	sld [smem:$0x3FFD];
	_ =	sdelay $0x3  }
0x94: {  	_ =	strace s2  }
0x95: {  	_ =	strace $0x8FFFFFFF  }
0x96: {  	s18 =	sld [smem:$0x3FDB];
	_ =	sdelay $0x1  }
0x97: {  	s3 =	simm.s32 $_scs_section_size  }
0x98: {  	s4 =	simm.s32 $_size__tile_overlayer_lowered;
	s5 =	simm.s32 $_tile_overlayer_lowered  }
0x99: {  	s21 =	simm.s32 $0x1BFF;
	s20 =	sshll.u32 s5, $0x1;
	s2 =	sadd.s32 s3, s18  }
0x9a: {  	s6 =	simm.s32 $0x0;
	s19 =	sshll.u32 s4, $0x1;
	s4 =	sadd.s32 s20, s2  }
0x9b: {  	[timem:s6], [sflag:s21] =	dma.local [hbm:s4], s19  }
0x9c: {  	_ =	swait.ge [sflag:s21], s19  }
0x9d: {  	s3 =	ssub.s32 $0x0, s19;
	[sflag:s21] =	ssyncset.done $0x0  }
0x9e: {  	[sflag:s21] =	ssyncadd.s32 s3;
	_ =	sdelay $0x1  }
0x9f: {  	s22 =	simm.s32 $0x1B8B  }
0xa0: {  	_ =	swait.ge [sflag:s22], $0x1  }
0xa1: {  	[sflag:s22] =	ssyncset.done $0x0  }
0xa2: {  	s23 =	simm.s32 $0x1B8E;
	[sflag:s22] =	ssyncadd.s32 $0xFFFFFFFF  }
0xa3: {  	s24 =	simm.s32 $execute0_lowered;
	[smem:$0x3FD2] =	sst s23  }
0xa4: {  	s3 =	sshll.u32 s24, $0x1;
	_ =	strace $0x80000046;
	[dreg:$0x1] =	wrdreg $0xFFFFFFFF  }
0xa5: {  	s25 =	simm.s32 $_size_execute0_lowered;
	s2 =	sadd.s32 s2, s3;
	[dreg:$0x0] =	wrdreg $0x0  }
0xa6: {  	s3 =	sshll.u32 s25, $0x1;
	[dreg:$0x2] =	wrdreg s2  }
0xa7: {  	[dreg:$0x3] =	wrdreg s3  }
0xa8: {  	[dreg:$0x4] =	wrdreg $0xC0  }
0xa9: {  	_ =	task [dreg:s6], $0x5FFFF  }
0xaa: {  	[dreg:$0x1] =	wrdreg $0xFFFFFFFF  }
0xab: {  	[dreg:$0x0] =	wrdreg $0x60  }
0xac: {  	[dreg:$0x2] =	wrdreg s0  }
0xad: {  	[dreg:$0x3] =	wrdreg s17  }
0xae: {  	[dreg:$0x4] =	wrdreg $0x8800  }
0xaf: {  	[dreg:$0x5] =	wrdreg $0x9  }
0xb0: {  	_ =	task.clear_ibuf [dreg:s6], $0x6FFFF;
	_ =	strace $0x90000046  }
0xb1: {  	s26 =	simm.s32 $0x9;
	_ =	strace $0x80000048  }
0xb2: {  	_ =	swait.ge [sflag:s26], $0x1  }
0xb3: {  	[sflag:s26] =	ssyncadd.s32 $0xFFFFFFFF  }
0xb4: {  	_ =	strace $0x90000048  }
0xb5: {  	_ =	sfence  }
0xb6: {  	s28 =	sld [smem:$0x0];
	_ =	sdelay $0x1  }
0xb7: {  	s29 =	srdreg.scid  }
0xb8: {  	s30 =	sshll.u32 s29, $0xD;
	s31 =	sshrl.u32 s29, $0x2  }
0xb9: {  	s1 =	sand.u32 $0x1, s29;
	s2 =	sand.u32 $0x4000, s30;
	s0 =	sadd.s32 s31, s28  }
0xba: {  	s1 =	sor.u32 s2, s1;
	s0 =	sshll.u32 s0, $0x11  }
0xbb: {  	s0 =	sor.u32 s0, s1  }
0xbc: {  	s0 =	sadd.s32 $0x8F2B, s0  }
0xbd: {  	[sflag:s0] =	ssyncadd.remote.s32 $0x1  }
0xbe: {  	_ =	sfence.sel $0xFFFF  }
0xbf: {  	[dreg:$0x0] =	wrdreg $0xFFFFFFFF;
	(pc) =	sbr.abs _section_cstart, $3  }
0xc0: {  	[dreg:$0x1] =	wrdreg $0xFFFFFFFF  }
0xc1: {  	_ =	task.clear_ibuf [dreg:s6], $0x2FFFF;
	_ =	strace $0x9FFFFFFF  }
0xc2: {  	(tm) =	ssettm $0x7FFFFFFF  }
0xc3: {  	_ =	shalt  }
tec
execute0_lowered:
.L_overlay_start_1:
0x0: {  	(tag) =	ssettag $0x1  }
0x1: {  	s4 =	rddreg [dreg:$0x0]  }
0x2: {  	s1 =	rddreg [dreg:$0x1]  }
0x3: {  	s2 =	rddreg [dreg:$0x2]  }
0x4: {  	s0 =	rddreg [dreg:$0x3];
	s5 =	simm.s32 $0x0;
	s3 =	stileid.u32  }
0x5: {  	[smem:$0x7FF] =	sst s5;
	s6 =	sshll.u32 s3, $0x8  }
0x6: {  	s30 =	simm.s32 $0x1;
	_ =	strace $0x80000047;
	s4 =	sadd.s32 s4, s6  }
0x7: {  	[tilespmem:s5], [sflag:$0x1] =	stream.linear.gather [hbm4b:s4+s5], $0x800, $0x38;
	[tilespmem:$0xB20] =	vst v63  }
0x8: {  	_ =	swait.ge [sflag:s30], $0x800  }
0x9: {  	[sflag:s30] =	ssyncset.done $0x0  }
0xa: {  	s31 =	simm.s32 $0x0;
	[sflag:s30] =	ssyncadd.s32 $0xFFFFF800  }
0xb: {  	v3 =	vld [tilespmem:s31+$0x0];
	_ =	sdelay $0x3  }
0xc: {  	v0 =	vimm.f32 $-Inf;
	v1 =	vimm.s32 $0x0;
	v2 =	vlaneseq.u32;
	s4 =	sshll.u32 s3, $0xB;
	s5 =	simm.s32 $0x40  }
.LBB2_1:
0xd: {  	s6 =	sshra.s32 s5, $0x2;
	p0 =	sne.s32 s5, $0x1FC0;
	s5 =	sadd.s32 $0x40, s5;
	v4 =	vor.u32 s4, v2;
	vm0 =	vgt.f32 v3, v0  }
.Ltmp0:
0xe: {  	v0 =	vsel vm0, v3, v0;
	v3 =	vld [tilespmem:s6+$0x0];
	v1 =	vsel vm0, v4, v1;
	(pc) =	sbr.rel @p0 .LBB2_1-.Ltmp0, $2  }
0xf: {  	_ =	sdelay $0x2  }
0x10: {  	s4 =	sadd.s32 $0x10, s4  }
0x11: {  	vm0 =	vgt.f32 v3, v0  }
0x12: {  	v2 =	vor.u32 s4, v2;
	v0 =	vsel vm0, v3, v0  }
0x13: {  	s31 =	sshll.u32 s3, $0x5;
	v1 =	vsel vm0, v2, v1;
	[tilespmem:$0x800] =	vst v0  }
0x14: {  	s5 =	simm.s32 $0x800;
	s4 =	sadd.s32 s31, s2;
	[tilespmem:$0x810] =	vst v1  }
0x15: {  	[spmem:s4] =	stream.linear.scatter [tilespmem:s5], [sflag:$0x1], $0x20, $0x38;
	[tilespmem:$0xB20] =	vst v63  }
0x16: {  	s4 =	simm.s32 $0x1  }
0x17: {  	_ =	swait.ge [sflag:s4], $0x20  }
0x18: {  	[sflag:s4] =	ssyncset.done $0x0  }
0x19: {  	[sflag:s4] =	ssyncadd.s32 $0xFFFFFFE0  }
0x1a: {  	p0 =	sne.s32 s3, $0x0;
	[bflag:$0x0] =	sbarrier.arrive $0xFFFF  }
0x1b: {  	_ =	sfence.sel @p0 $0x180000  }
0x1c: {  	[bflag:$0x0] =	sbarrier.arrive @p0 $0xFFFF  }
0x1d: {  	_ =	strace @p0 $0x90000047  }
0x1e: {  	[bflag:$0x2] =	sbarrier.arrive @p0 $0xFFFF  }
0x1f: {  	_ =	shalt @p0  }
.LBB2_3:
0x20: {  	s3 =	simm.s32 $0x8A0  }
0x21: {  	[tilespmem:s3], [sflag:$0x1] =	stream.linear.gather [spmem:s2], $0x200, $0x38;
	[tilespmem:$0xB20] =	vst v63  }
0x22: {  	_ =	swait.ge [sflag:s4], $0x200  }
0x23: {  	[sflag:s4] =	ssyncset.done $0x0  }
0x24: {  	s31 =	simm.s32 $0x0;
	[sflag:s4] =	ssyncadd.s32 $0xFFFFFE00  }
0x25: {  	v3 =	vld [tilespmem:s31+$0x8A0]  }
0x26: {  	v2 =	vld [tilespmem:s31+$0x8B0];
	_ =	sdelay $0x1  }
0x27: {  	v1 =	vimm.f32 $-Inf;
	v0 =	vimm.s32 $0x0;
	s2 =	simm.s32 $0x80  }
.LBB2_4:
0x28: {  	p0 =	sne.s32 s2, $0x780  }
.Ltmp1:
0x29: {  	s3 =	sshra.s32 s2, $0x2;
	v4 =	vmov v3;
	(pc) =	sbr.rel @p0 .LBB2_4-.Ltmp1, $4  }
0x2a: {  	s2 =	sadd.s32 $0x80, s2;
	v3 =	vld [tilespmem:s3+$0x8A0];
	vm0 =	veq.f32 v4, v1;
	vm1 =	vlt.s32 v2, v0;
	v5 =	vmov v2  }
0x2b: {  	vm2 =	vgt.f32 v4, v1;
	v2 =	vld [tilespmem:s3+$0x8B0];
	vm0 =	vmand vm0, vm1  }
0x2c: {  	vm0 =	vmor vm2, vm0  }
0x2d: {  	v1 =	vsel vm0, v4, v1;
	v0 =	vsel vm0, v5, v0  }
0x2e: {  	v4 =	vimm.s32 $0xFEDCBA98  }
0x2f: {  	v5 =	vimm.s32 $0x76543210;
	v4 =	vunpack.c.l.s4.s8 v4  }
0x30: {  	v5 =	vunpack.c.l.s4.s8 v5  }
0x31: {  	vm0 =	veq.f32 v3, v1;
	vm1 =	vlt.s32 v2, v0;
	v4 =	vunpack.c.0.s8.s32 v4  }
0x32: {  	vm4 =	vgt.f32 v3, v1;
	vm0 =	vmand vm0, vm1;
	v5 =	vunpack.c.0.s8.s32 v5  }
0x33: {  	v50 =	vimm.s32 $0xBA98FEDC;
	vm0 =	vmor vm4, vm0;
	v49 =	vand.u32 $0xF, v4  }
0x34: {  	v51 =	vimm.s32 $0x32107654;
	v48 =	vsel vm0, v3, v1;
	v3 =	vcombine.low v49, v5  }
0x35: {  	v53 =	vunpack.c.l.s4.s8 v50;
	v54 =	vunpack.c.l.s4.s8 v51;
	v52 =	vsel vm0, v2, v0  }
0x36: {  	v57 =	vimm.s32 $0xDCFE98BA;
	v55 =	vperm.xlane v48, v3;
	v3 =	vperm.xlane v52, v3  }
0x37: {  	v58 =	vimm.s32 $0x54761032;
	v2 =	vunpack.c.0.s8.s32 v53;
	v4 =	vunpack.c.0.s8.s32 v54  }
0x38: {  	v5 =	vunpack.c.l.s4.s8 v58;
	vm5 =	veq.f32 v55, v48;
	vm6 =	vlt.s32 v3, v52  }
0x39: {  	v2 =	vcombine.low v4, v2;
	vm7 =	vgt.f32 v55, v48;
	vm0 =	vmand vm5, vm6  }
0x3a: {  	v4 =	vunpack.c.l.s4.s8 v57;
	v5 =	vunpack.c.0.s8.s32 v5;
	vm0 =	vmor vm7, vm0  }
0x3b: {  	v2 =	vand.u32 $0xF, v2;
	v1 =	vsel vm0, v55, v48;
	v0 =	vsel vm0, v3, v52  }
0x3c: {  	v4 =	vunpack.c.0.s8.s32 v4;
	v56 =	vperm.xlane v1, v2;
	v2 =	vperm.xlane v0, v2  }
0x3d: {  	v60 =	vimm.s32 $0xEFCDAB89  }
0x3e: {  	v59 =	vcombine.low v5, v4;
	vm8 =	veq.f32 v56, v1;
	vm9 =	vlt.s32 v2, v0  }
0x3f: {  	v61 =	vimm.s32 $0x67452301;
	vm10 =	vgt.f32 v56, v1;
	vm0 =	vmand vm8, vm9  }
0x40: {  	v4 =	vunpack.c.l.s4.s8 v61;
	v3 =	vand.u32 $0xF, v59;
	vm0 =	vmor vm10, vm0  }
0x41: {  	v1 =	vsel vm0, v56, v1;
	v0 =	vsel vm0, v2, v0;
	v2 =	vunpack.c.l.s4.s8 v60  }
0x42: {  	v62 =	vperm.xlane v1, v3;
	v3 =	vperm.xlane v0, v3  }
0x43: {  	v4 =	vunpack.c.0.s8.s32 v4;
	v2 =	vunpack.c.0.s8.s32 v2  }
0x44: {  	vm11 =	veq.f32 v62, v1;
	vm12 =	vlt.s32 v3, v0  }
0x45: {  	vm13 =	vgt.f32 v62, v1;
	v2 =	vcombine.low v4, v2;
	vm0 =	vmand vm11, vm12  }
0x46: {  	vm0 =	vmor vm13, vm0  }
0x47: {  	v1 =	vsel vm0, v62, v1;
	v0 =	vsel vm0, v3, v0;
	v2 =	vand.u32 $0xF, v2  }
0x48: {  	v63 =	vperm.xlane v1, v2;
	v2 =	vperm.xlane v0, v2;
	_ =	sdelay $0x1  }
0x49: {  	vm14 =	veq.f32 v63, v1;
	vm15 =	vlt.s32 v2, v0  }
0x4a: {  	vm2 =	vgt.f32 v63, v1;
	vm0 =	vmand vm14, vm15  }
0x4b: {  	vm0 =	vmor vm2, vm0  }
0x4c: {  	v0 =	vsel vm0, v2, v0  }
0x4d: {  	s2 =	simm.s32 $0x0;
	s3 =	simm.s32 $0xAA0;
	s31 =	simm.s32 $0x1;
	[tilespmem:$0xAA0] =	vst v0  }
0x4e: {  	[hbm4b:s1+s2] =	stream.linear.scatter [tilespmem:s3], [sflag:$0x1], $0x80, $0x38;
	[tilespmem:$0xB20] =	vst v63  }
0x4f: {  	_ =	swait.ge [sflag:s31], $0x80  }
0x50: {  	[sflag:s31] =	ssyncset.done $0x0  }
0x51: {  	[sflag:s31] =	ssyncadd.s32 $0xFFFFFF80  }
0x52: {  	_ =	sfence.sel $0x180000  }
0x53: {  	[bflag:$0x0] =	sbarrier.arrive $0xFFFF  }
0x54: {  	_ =	strace $0x90000047  }
0x55: {  	s0 =	sadd.s32 $0x100000, s0;
	[bflag:$0x2] =	sbarrier.arrive $0xFFFF  }
0x56: {  	[sflag:s0] =	ssyncadd.tile.s32 $0x1;
	_ =	shalt  }
.Lfunc_end2:
_tile_overlayer_lowered:
.L_overlay_start_2:
0x57: {  	(tag) =	ssettag $0x2  }
0x58: {  	s0 =	rddreg [dreg:$0x0];
	s2 =	stileid.u32  }
0x59: {  	s1 =	rddreg [dreg:$0x1];
	p0 =	sne.s32 s2, $0x0  }
0x5a: {  	s3 =	rddreg [dreg:$0x2];
	[bflag:$0x3] =	sbarrier.arrive $0xFFFF;
	s2 =	simm.s32 @!p0 $0x1C01  }
0x5b: {  	[timem:s3], [sflag:s2] =	dma.local @!p0 [hbm:s0], s1  }
0x5c: {  	s0 =	simm.s32 @!p0 $0x1  }
0x5d: {  	_ =	swait.ge @!p0 [sflag:s0], s1  }
0x5e: {  	s1 =	ssub.s32 @!p0 $0x0, s1;
	[sflag:s0] =	ssyncset.done @!p0 $0x0  }
0x5f: {  	[sflag:s0] =	ssyncadd.s32 @!p0 s1  }
0x60: {  	[bflag:$0x3] =	sbarrier.arrive $0xFFFF  }
0x61: {  	_ =	shalt  }

</sc_bundles>
